<compile_context>
chip_gen: v7x
topology: tpu7x:2x2x1
jax: 0.10.2.dev20260603
libtpu: 0.0.44.dev20260713+nightly
codegen_flags: <defaults>
</compile_context>

<pallas_src>
import functools

import jax
import jax.numpy as jnp
from jax import lax
from jax.experimental import pallas as pl
from jax.experimental.pallas import tpu as pltpu
from jax.experimental.pallas import tpu_sc as plsc

_COMMITMENT_COST = 0.25


def _encode_vq_body(x_ref, eps_ref,
                    mw1, mb1, mw2, mb2, mw3, mb3,
                    lw1, lb1, lw2, lb2, lw3, lb3,
                    cb_ref,
                    z_ref, idx_ref, kl_ref,
                    cn_s, m_s, i_s):
    ct = pl.program_id(1)
    ib = pl.program_id(0)
    n_ct = pl.num_programs(1)

    @pl.when(ct == 0)
    def _():
        x = x_ref[...]
        h = jnp.tanh(jnp.dot(x, mw1[...], preferred_element_type=jnp.float32) + mb1[...])
        h = jnp.tanh(jnp.dot(h, mw2[...], preferred_element_type=jnp.float32) + mb2[...])
        mu = jnp.dot(h, mw3[...], preferred_element_type=jnp.float32) + mb3[...]

        g = jnp.tanh(jnp.dot(x, lw1[...], preferred_element_type=jnp.float32) + lb1[...])
        g = jnp.tanh(jnp.dot(g, lw2[...], preferred_element_type=jnp.float32) + lb2[...])
        logvar = jnp.dot(g, lw3[...], preferred_element_type=jnp.float32) + lb3[...]

        z_ref[...] = -2.0 * (mu + jnp.exp(0.5 * logvar) * eps_ref[...])

        kl_part = jnp.sum(1.0 + logvar - mu * mu - jnp.exp(logvar), keepdims=True)

        @pl.when(ib == 0)
        def _():
            kl_ref[...] = jnp.zeros((1, 1), jnp.float32)

        kl_ref[...] += kl_part
        m_s[...] = jnp.full(m_s.shape, jnp.inf, jnp.float32)
        i_s[...] = jnp.zeros(i_s.shape, jnp.int32)

    c = cb_ref[...]
    cb_tile = c.shape[1]

    @pl.when(ib == 0)
    def _():
        cn_s[:, pl.ds(ct * cb_tile, cb_tile)] = jnp.sum(
            c * c, axis=0, keepdims=True)

    cn = cn_s[:, pl.ds(ct * cb_tile, cb_tile)]
    s = jnp.dot(z_ref[...], c, preferred_element_type=jnp.float32)
    d = s + cn
    b_blk = d.shape[0]
    m = m_s[...]
    idx = i_s[...]
    lane = lax.broadcasted_iota(jnp.int32, (b_blk, 128), 1)
    for blk in range(cb_tile // 128):
        db = d[:, blk * 128:(blk + 1) * 128]
        cand = lane + (ct * cb_tile + blk * 128)
        better = db < m
        m = jnp.where(better, db, m)
        idx = jnp.where(better, cand, idx)
    m_s[...] = m
    i_s[...] = idx

    @pl.when(ct == n_ct - 1)
    def _():
        dmin = jnp.min(m, axis=1, keepdims=True)
        best = jnp.min(jnp.where(m == dmin, idx, jnp.int32(2**30)), axis=1)
        idx_ref[...] = best.reshape(idx_ref.shape)


def _decode_body(q_ref, z2_ref, dw1, db1, dw2, db2, dw3, db3,
                 xr_ref, vq_ref):
    q = q_ref[...]
    diff = q + 0.5 * z2_ref[...]
    vq_part = jnp.sum(diff * diff, keepdims=True)

    @pl.when(pl.program_id(0) == 0)
    def _():
        vq_ref[...] = jnp.zeros((1, 1), jnp.float32)

    vq_ref[...] += vq_part

    h = jnp.tanh(jnp.dot(q, dw1[...], preferred_element_type=jnp.float32) + db1[...])
    h = jnp.tanh(jnp.dot(h, dw2[...], preferred_element_type=jnp.float32) + db2[...])
    xr_ref[...] = jnp.dot(h, dw3[...], preferred_element_type=jnp.float32) + db3[...]


def _make_sc_gather(num_emb, emb_dim, batch):
    info = plsc.get_sparse_core_info()
    nc, ns = info.num_cores, info.num_subcores
    nw = nc * ns
    assert batch % nw == 0
    b_per_w = batch // nw
    mesh = plsc.VectorSubcoreMesh(core_axis_name="c", subcore_axis_name="s")

    @functools.partial(
        pl.kernel, mesh=mesh,
        out_type=jax.ShapeDtypeStruct((batch, emb_dim), jnp.float32),
        scratch_types=[
            pltpu.VMEM((b_per_w,), jnp.int32),
            pltpu.VMEM((b_per_w, emb_dim), jnp.float32),
            pltpu.SemaphoreType.DMA,
        ],
    )
    def gather(table_hbm, idx_hbm, out_hbm, idx_v, rows_v, sem):
        wid = lax.axis_index("s") * nc + lax.axis_index("c")
        base = wid * b_per_w
        pltpu.sync_copy(idx_hbm.at[pl.ds(base, b_per_w)], idx_v)
        pltpu.async_copy(table_hbm.at[idx_v], rows_v, sem).wait()
        pltpu.sync_copy(rows_v, out_hbm.at[pl.ds(base, b_per_w)])

    return gather


def kernel(x, eps, mu_params, logvar_params, dec_params, codebook):
    batch, in_dim = x.shape
    emb_dim = eps.shape[1]
    num_emb = codebook.shape[0]

    b_blk = 2048
    nb = batch // b_blk
    cb_tile = 512
    n_ct = num_emb // cb_tile

    def row(p):
        out = []
        for w, b in p:
            out.append(w)
            out.append(b.reshape(1, -1))
        return out

    mu_flat = row(mu_params)
    lv_flat = row(logvar_params)
    dec_flat = row(dec_params)

    def wspec2(a):
        return pl.BlockSpec(a.shape, lambda i, j: (0,) * a.ndim)

    z, idx3, kl_sum = pl.pallas_call(
        _encode_vq_body,
        grid=(nb, n_ct),
        in_specs=[
            pl.BlockSpec((b_blk, in_dim), lambda i, j: (i, 0)),
            pl.BlockSpec((b_blk, emb_dim), lambda i, j: (i, 0)),
            *[wspec2(a) for a in mu_flat],
            *[wspec2(a) for a in lv_flat],
            pl.BlockSpec((emb_dim, cb_tile), lambda i, j: (0, j)),
        ],
        out_specs=[
            pl.BlockSpec((b_blk, emb_dim), lambda i, j: (i, 0)),
            pl.BlockSpec((1, 1, b_blk), lambda i, j: (i, 0, 0)),
            pl.BlockSpec((1, 1), lambda i, j: (0, 0)),
        ],
        out_shape=[
            jax.ShapeDtypeStruct((batch, emb_dim), jnp.float32),
            jax.ShapeDtypeStruct((nb, 1, b_blk), jnp.int32),
            jax.ShapeDtypeStruct((1, 1), jnp.float32),
        ],
        scratch_shapes=[
            pltpu.VMEM((1, num_emb), jnp.float32),
            pltpu.VMEM((b_blk, 128), jnp.float32),
            pltpu.VMEM((b_blk, 128), jnp.int32),
        ],
    )(x, eps, *mu_flat, *lv_flat, codebook.T)

    idx = idx3.reshape(batch)
    quantized = _make_sc_gather(num_emb, emb_dim, batch)(codebook, idx)

    def wspec1(a):
        return pl.BlockSpec(a.shape, lambda i: (0,) * a.ndim)

    xr, vq_sum = pl.pallas_call(
        _decode_body,
        grid=(nb,),
        in_specs=[
            pl.BlockSpec((b_blk, emb_dim), lambda i: (i, 0)),
            pl.BlockSpec((b_blk, emb_dim), lambda i: (i, 0)),
            *[wspec1(a) for a in dec_flat],
        ],
        out_specs=[
            pl.BlockSpec((b_blk, in_dim), lambda i: (i, 0)),
            pl.BlockSpec((1, 1), lambda i: (0, 0)),
        ],
        out_shape=[
            jax.ShapeDtypeStruct((batch, in_dim), jnp.float32),
            jax.ShapeDtypeStruct((1, 1), jnp.float32),
        ],
    )(quantized, z, *dec_flat)

    vq_loss = (1.0 + _COMMITMENT_COST) * vq_sum[0, 0] / (batch * emb_dim)
    kl_loss = -0.5 * kl_sum[0, 0]
    return xr, vq_loss, kl_loss

# --- scband reference (transcript-rebuilt; emitter-appended) ---
"""Pipeline reference for scband-svqvae-25503515804115 (READ-ONLY COPY).

The authoritative reference and input builder live on the scoring server;
editing this copy changes nothing except your own understanding.
"""

import jax, jax.numpy as jnp
import numpy as np

B = 4096
INPUT_DIM = 512
EMB_DIM = 256
NUM_EMB = 8192
COMMITMENT_COST = 0.25
ENC_DIMS = [INPUT_DIM, 1024, 512, EMB_DIM]
DEC_DIMS = [EMB_DIM, 512, 1024, INPUT_DIM]


def _init_mlp(key, dims):
    params = []
    for i in range(len(dims) - 1):
        key, k1, k2 = jax.random.split(key, 3)
        scale = 1.0 / np.sqrt(dims[i])
        W = jax.random.normal(k1, (dims[i], dims[i + 1]), dtype=jnp.float32) * scale
        b = jnp.zeros((dims[i + 1],), dtype=jnp.float32)
        params.append((W, b))
    return params


def _mlp(x, params):
    h = x
    n = len(params)
    for i, (W, b) in enumerate(params):
        h = h @ W + b
        if i < n - 1:
            h = jnp.tanh(h)
    return h


def setup_inputs(seed: int = 0) -> dict:
    key = jax.random.key(seed)
    kx, keps, kmu, klv, kdec, kcb = jax.random.split(key, 6)
    x = jax.random.normal(kx, (B, INPUT_DIM), dtype=jnp.float32)
    eps = jax.random.normal(keps, (B, EMB_DIM), dtype=jnp.float32)
    mu_params = _init_mlp(kmu, ENC_DIMS)
    logvar_params = _init_mlp(klv, ENC_DIMS)
    dec_params = _init_mlp(kdec, DEC_DIMS)
    codebook = jax.random.normal(kcb, (NUM_EMB, EMB_DIM), dtype=jnp.float32) * 0.1
    return {"x": x, "eps": eps, "mu_params": mu_params, "logvar_params": logvar_params, "dec_params": dec_params, "codebook": codebook}


def reference(x, eps, mu_params, logvar_params, dec_params, codebook):
    mu = _mlp(x, mu_params)
    logvar = _mlp(x, logvar_params)
    std = jnp.exp(0.5 * logvar)
    z = mu + std * eps
    # Vector quantization
    d = (jnp.sum(z ** 2, axis=1, keepdims=True)
         + jnp.sum(codebook ** 2, axis=1)[None, :]
         - 2.0 * (z @ codebook.T))
    encoding_indices = jnp.argmin(d, axis=1)
    quantized = jnp.take(codebook, encoding_indices, axis=0)
    e_latent_loss = jnp.mean((jax.lax.stop_gradient(quantized) - z) ** 2)
    q_latent_loss = jnp.mean((quantized - jax.lax.stop_gradient(z)) ** 2)
    vq_loss = q_latent_loss + COMMITMENT_COST * e_latent_loss
    z_q = z + jax.lax.stop_gradient(quantized - z)  # straight-through
    x_reconstructed = _mlp(z_q, dec_params)
    kl_loss = -0.5 * jnp.sum(1.0 + logvar - mu ** 2 - jnp.exp(logvar))
    return (x_reconstructed, vq_loss, kl_loss)

if __name__ == "__main__":
    import jax
    _d = setup_inputs()
    print(jax.jit(kernel)(*tuple(_d.values())))

</pallas_src>

<mosaic_0001>
#map = affine_map<(d0, d1) -> (0, 0)>
#map1 = affine_map<(d0, d1) -> (0)>
module attributes {stable_mosaic.version = 14 : i64} {
  func.func @gather(%arg0: i32, %arg1: i32, %arg2: memref<8192x256xf32, #tpu.memory_space<hbm>>, %arg3: memref<4096xi32, #tpu.memory_space<hbm>>, %arg4: memref<4096x256xf32, #tpu.memory_space<hbm>>, %arg5: memref<128xi32, #tpu.memory_space<vmem>>, %arg6: memref<128x256xf32, #tpu.memory_space<vmem>>, %arg7: memref<!tpu.dma_semaphore, #tpu.memory_space<semaphore_mem>>) attributes {dimension_semantics = [#tpu.dimension_semantics<core_parallel>, #tpu.dimension_semantics<subcore_parallel>], iteration_bounds = array<i64: 2, 16>, scalar_prefetch = 0 : i64, scratch_operands = 3 : i64, tpu.core_type = #tpu.core_type<sc_vector_subcore>, window_params = [{transform_indices = #map}, {transform_indices = #map1}, {transform_indices = #map}]} {
    %mul3A = arith.constant 2 : i32
    %mul3A_0 = arith.muli %arg1, %mul3A : i32
    %add3A = arith.addi %mul3A_0, %arg0 : i32
    %mul3A_1 = arith.constant 128 : i32
    %mul3A_2 = arith.muli %add3A, %mul3A_1 : i32
    "tpu.region"() ({
      %run_scoped3A = tpu.sem_alloc : memref<!tpu.dma_semaphore, #tpu.memory_space<semaphore_mem>>
      %dma_start3A_7 = tpu.memref_slice %arg3[%mul3A_2] : memref<4096xi32, #tpu.memory_space<hbm>> -> memref<128xi32, #tpu.memory_space<hbm>>
      %dma_start3A_8 = tpu.memref_slice %arg3[%mul3A_2] : memref<4096xi32, #tpu.memory_space<hbm>> -> memref<128xi32, #tpu.memory_space<hbm>>
      tpu.enqueue_dma source(%dma_start3A_8 : memref<128xi32, #tpu.memory_space<hbm>>) target(%arg5 : memref<128xi32, #tpu.memory_space<vmem>>) target_semaphore(%run_scoped3A : memref<!tpu.dma_semaphore, #tpu.memory_space<semaphore_mem>>)
      %dma_wait3A_9 = tpu.memref_slice %arg3[%mul3A_2] : memref<4096xi32, #tpu.memory_space<hbm>> -> memref<128xi32, #tpu.memory_space<hbm>>
      %dma_wait3A_10 = tpu.memref_slice %arg3[%mul3A_2] : memref<4096xi32, #tpu.memory_space<hbm>> -> memref<128xi32, #tpu.memory_space<hbm>>
      tpu.wait_dma2 semaphore(%run_scoped3A : memref<!tpu.dma_semaphore, #tpu.memory_space<semaphore_mem>>) src(%dma_wait3A_10 : memref<128xi32, #tpu.memory_space<hbm>>) dst(%arg5 : memref<128xi32, #tpu.memory_space<vmem>>)
      tpu.yield
    }) : () -> ()
    %dma_start3A = arith.constant 0 : i32
    %dma_start3A_3 = arith.constant 0 : i32
    %dma_start3A_4 = tpu.memref_slice %arg2[%dma_start3A, %dma_start3A_3] : memref<8192x256xf32, #tpu.memory_space<hbm>> -> memref<8192x256xf32, #tpu.memory_space<hbm>>
    tpu.enqueue_indirect_dma source(%dma_start3A_4 : memref<8192x256xf32, #tpu.memory_space<hbm>>) target(%arg6 : memref<128x256xf32, #tpu.memory_space<vmem>>) offsets(%arg5 : memref<128xi32, #tpu.memory_space<vmem>>) semaphore(%arg7 : memref<!tpu.dma_semaphore, #tpu.memory_space<semaphore_mem>>)
    %dma_wait3A = arith.constant 0 : i32
    %dma_wait3A_5 = arith.constant 0 : i32
    %dma_wait3A_6 = tpu.memref_slice %arg2[%dma_wait3A, %dma_wait3A_5] : memref<8192x256xf32, #tpu.memory_space<hbm>> -> memref<8192x256xf32, #tpu.memory_space<hbm>>
    tpu.wait_indirect_dma semaphore(%arg7 : memref<!tpu.dma_semaphore, #tpu.memory_space<semaphore_mem>>) src(%dma_wait3A_6 : memref<8192x256xf32, #tpu.memory_space<hbm>>) dst(%arg6 : memref<128x256xf32, #tpu.memory_space<vmem>>)
    "tpu.region"() ({
      %run_scoped3A = tpu.sem_alloc : memref<!tpu.dma_semaphore, #tpu.memory_space<semaphore_mem>>
      %dma_start3A_7 = arith.constant 0 : i32
      %dma_start3A_8 = tpu.memref_slice %arg4[%mul3A_2, %dma_start3A_7] : memref<4096x256xf32, #tpu.memory_space<hbm>> -> memref<128x256xf32, #tpu.memory_space<hbm>>
      %dma_start3A_9 = arith.constant 0 : i32
      %dma_start3A_10 = tpu.memref_slice %arg4[%mul3A_2, %dma_start3A_9] : memref<4096x256xf32, #tpu.memory_space<hbm>> -> memref<128x256xf32, #tpu.memory_space<hbm>>
      tpu.enqueue_dma source(%arg6 : memref<128x256xf32, #tpu.memory_space<vmem>>) target(%dma_start3A_10 : memref<128x256xf32, #tpu.memory_space<hbm>>) target_semaphore(%run_scoped3A : memref<!tpu.dma_semaphore, #tpu.memory_space<semaphore_mem>>)
      %dma_wait3A_11 = arith.constant 0 : i32
      %dma_wait3A_12 = tpu.memref_slice %arg4[%mul3A_2, %dma_wait3A_11] : memref<4096x256xf32, #tpu.memory_space<hbm>> -> memref<128x256xf32, #tpu.memory_space<hbm>>
      %dma_wait3A_13 = arith.constant 0 : i32
      %dma_wait3A_14 = tpu.memref_slice %arg4[%mul3A_2, %dma_wait3A_13] : memref<4096x256xf32, #tpu.memory_space<hbm>> -> memref<128x256xf32, #tpu.memory_space<hbm>>
      tpu.wait_dma2 semaphore(%run_scoped3A : memref<!tpu.dma_semaphore, #tpu.memory_space<semaphore_mem>>) src(%arg6 : memref<128x256xf32, #tpu.memory_space<vmem>>) dst(%dma_wait3A_14 : memref<128x256xf32, #tpu.memory_space<hbm>>)
      tpu.yield
    }) : () -> ()
    return
  }
}

module attributes {stable_mosaic.version = 14 : i64} {
  func.func @_decode_body(%arg0: i32, %arg1: memref<2048x256xf32, #tpu.memory_space<vmem>>, %arg2: memref<2048x256xf32, #tpu.memory_space<vmem>>, %arg3: memref<256x512xf32, #tpu.memory_space<vmem>>, %arg4: memref<1x512xf32, #tpu.memory_space<vmem>>, %arg5: memref<512x1024xf32, #tpu.memory_space<vmem>>, %arg6: memref<1x1024xf32, #tpu.memory_space<vmem>>, %arg7: memref<1024x512xf32, #tpu.memory_space<vmem>>, %arg8: memref<1x512xf32, #tpu.memory_space<vmem>>, %arg9: memref<2048x512xf32, #tpu.memory_space<vmem>>, %arg10: memref<1x1xf32, #tpu.memory_space<vmem>>) attributes {dimension_semantics = [#tpu.dimension_semantics<arbitrary>], iteration_bounds = array<i64: 2>, scalar_prefetch = 0 : i64, scratch_operands = 0 : i64, tpu.core_type = #tpu.core_type<tc>, window_params = [{transform_indices = @transform_0, window_bounds = array<i64: 2048, 256>}, {transform_indices = @transform_1, window_bounds = array<i64: 2048, 256>}, {pipeline_mode = #tpu.pipeline_mode<synchronous>, transform_indices = @transform_2, window_bounds = array<i64: 256, 512>}, {pipeline_mode = #tpu.pipeline_mode<synchronous>, transform_indices = @transform_3, window_bounds = array<i64: 1, 512>}, {pipeline_mode = #tpu.pipeline_mode<synchronous>, transform_indices = @transform_4, window_bounds = array<i64: 512, 1024>}, {pipeline_mode = #tpu.pipeline_mode<synchronous>, transform_indices = @transform_5, window_bounds = array<i64: 1, 1024>}, {pipeline_mode = #tpu.pipeline_mode<synchronous>, transform_indices = @transform_6, window_bounds = array<i64: 1024, 512>}, {pipeline_mode = #tpu.pipeline_mode<synchronous>, transform_indices = @transform_7, window_bounds = array<i64: 1, 512>}, {transform_indices = @transform_8, window_bounds = array<i64: 2048, 512>}, {pipeline_mode = #tpu.pipeline_mode<synchronous>, transform_indices = @transform_9, window_bounds = array<i64: 1, 1>}]} {
    %get3A = arith.constant 0 : index
    %get3A_0 = arith.constant 0 : index
    %get3A_1 = vector.load %arg1[%get3A, %get3A_0] : memref<2048x256xf32, #tpu.memory_space<vmem>>, vector<2048x256xf32>
    %get3A_2 = arith.constant 0 : index
    %get3A_3 = arith.constant 0 : index
    %get3A_4 = vector.load %arg2[%get3A_2, %get3A_3] : memref<2048x256xf32, #tpu.memory_space<vmem>>, vector<2048x256xf32>
    %mul3A = arith.constant 5.000000e-01 : f32
    %mul3A_5 = vector.broadcast %mul3A : f32 to vector<2048x256xf32>
    %mul3A_6 = arith.mulf %mul3A_5, %get3A_4 : vector<2048x256xf32>
    %add3A = arith.addf %get3A_1, %mul3A_6 : vector<2048x256xf32>
    %mul3A_7 = arith.mulf %add3A, %add3A : vector<2048x256xf32>
    %reduce_sum3A = vector.shape_cast %mul3A_7 : vector<2048x256xf32> to vector<1x2048x256xf32>
    %reduce_sum3A_8 = arith.constant dense<0.000000e+00> : vector<1xf32>
    %reduce_sum3A_9 = vector.multi_reduction <add>, %reduce_sum3A, %reduce_sum3A_8 [1, 2] : vector<1x2048x256xf32> to vector<1xf32>
    %reduce_sum3A_10 = vector.shape_cast %reduce_sum3A_9 : vector<1xf32> to vector<1x1x1xf32>
    %reduce_sum3A_11 = vector.extract %reduce_sum3A_10[0, 0, 0] : f32 from vector<1x1x1xf32>
    %broadcast_in_dim3A = vector.broadcast %reduce_sum3A_11 : f32 to vector<1x1xf32>
    %eq3A = arith.constant 0 : i32
    %eq3A_12 = arith.cmpi eq, %arg0, %eq3A : i32
    %convert_element_type3A = arith.extui %eq3A_12 : i1 to i32
    %cond3A = arith.constant 0 : i32
    %cond3A_13 = arith.cmpi ne, %convert_element_type3A, %cond3A : i32
    scf.if %cond3A_13 {
      %broadcast_in_dim3A_53 = arith.constant 0.000000e+00 : f32
      %broadcast_in_dim3A_54 = vector.broadcast %broadcast_in_dim3A_53 : f32 to vector<1x1xf32>
      %swap3A_55 = arith.constant 0 : index
      %swap3A_56 = arith.constant 0 : index
      %swap3A_57 = vector.load %arg10[%swap3A_55, %swap3A_56] : memref<1x1xf32, #tpu.memory_space<vmem>>, vector<1x1xf32>
      tpu.vector_store %arg10[%swap3A_55, %swap3A_56], %broadcast_in_dim3A_54 {strides = array<i32>} : memref<1x1xf32, #tpu.memory_space<vmem>>, vector<1x1xf32>,
    } else {
    }
    %get3A_14 = arith.constant 0 : index
    %get3A_15 = arith.constant 0 : index
    %get3A_16 = vector.load %arg10[%get3A_14, %get3A_15] : memref<1x1xf32, #tpu.memory_space<vmem>>, vector<1x1xf32>
    %add3A_17 = arith.addf %get3A_16, %broadcast_in_dim3A : vector<1x1xf32>
    %swap3A = arith.constant 0 : index
    %swap3A_18 = arith.constant 0 : index
    %swap3A_19 = vector.load %arg10[%swap3A, %swap3A_18] : memref<1x1xf32, #tpu.memory_space<vmem>>, vector<1x1xf32>
    tpu.vector_store %arg10[%swap3A, %swap3A_18], %add3A_17 {strides = array<i32>} : memref<1x1xf32, #tpu.memory_space<vmem>>, vector<1x1xf32>,
    %get3A_20 = arith.constant 0 : index
    %get3A_21 = arith.constant 0 : index
    %get3A_22 = vector.load %arg3[%get3A_20, %get3A_21] : memref<256x512xf32, #tpu.memory_space<vmem>>, vector<256x512xf32>
    %dot_general3A = arith.constant dense<0.000000e+00> : vector<2048x512xf32>
    %dot_general3A_23 = tpu.matmul %get3A_1, %get3A_22, %dot_general3A {dimension_numbers = #tpu.dot_dimension_numbers<[1], [0], [0], [1], [0, 0, 1, 1], [], []>, transpose_lhs_hint = false} : vector<2048x256xf32>, vector<256x512xf32>, vector<2048x512xf32> -> vector<2048x512xf32>
    %get3A_24 = arith.constant 0 : index
    %get3A_25 = arith.constant 0 : index
    %get3A_26 = vector.load %arg4[%get3A_24, %get3A_25] : memref<1x512xf32, #tpu.memory_space<vmem>>, vector<1x512xf32>
    %add3A_27 = vector.broadcast %get3A_26 : vector<1x512xf32> to vector<2048x512xf32>
    %add3A_28 = arith.addf %dot_general3A_23, %add3A_27 : vector<2048x512xf32>
    %tanh3A = math.tanh %add3A_28 : vector<2048x512xf32>
    %get3A_29 = arith.constant 0 : index
    %get3A_30 = arith.constant 0 : index
    %get3A_31 = vector.load %arg5[%get3A_29, %get3A_30] : memref<512x1024xf32, #tpu.memory_space<vmem>>, vector<512x1024xf32>
    %dot_general3A_32 = arith.constant dense<0.000000e+00> : vector<2048x1024xf32>
    %dot_general3A_33 = tpu.matmul %tanh3A, %get3A_31, %dot_general3A_32 {dimension_numbers = #tpu.dot_dimension_numbers<[1], [0], [0], [1], [0, 0, 1, 1], [], []>, transpose_lhs_hint = false} : vector<2048x512xf32>, vector<512x1024xf32>, vector<2048x1024xf32> -> vector<2048x1024xf32>
    %get3A_34 = arith.constant 0 : index
    %get3A_35 = arith.constant 0 : index
    %get3A_36 = vector.load %arg6[%get3A_34, %get3A_35] : memref<1x1024xf32, #tpu.memory_space<vmem>>, vector<1x1024xf32>
    %add3A_37 = vector.broadcast %get3A_36 : vector<1x1024xf32> to vector<2048x1024xf32>
    %add3A_38 = arith.addf %dot_general3A_33, %add3A_37 : vector<2048x1024xf32>
    %tanh3A_39 = math.tanh %add3A_38 : vector<2048x1024xf32>
    %get3A_40 = arith.constant 0 : index
    %get3A_41 = arith.constant 0 : index
    %get3A_42 = vector.load %arg7[%get3A_40, %get3A_41] : memref<1024x512xf32, #tpu.memory_space<vmem>>, vector<1024x512xf32>
    %dot_general3A_43 = arith.constant dense<0.000000e+00> : vector<2048x512xf32>
    %dot_general3A_44 = tpu.matmul %tanh3A_39, %get3A_42, %dot_general3A_43 {dimension_numbers = #tpu.dot_dimension_numbers<[1], [0], [0], [1], [0, 0, 1, 1], [], []>, transpose_lhs_hint = false} : vector<2048x1024xf32>, vector<1024x512xf32>, vector<2048x512xf32> -> vector<2048x512xf32>
    %get3A_45 = arith.constant 0 : index
    %get3A_46 = arith.constant 0 : index
    %get3A_47 = vector.load %arg8[%get3A_45, %get3A_46] : memref<1x512xf32, #tpu.memory_space<vmem>>, vector<1x512xf32>
    %add3A_48 = vector.broadcast %get3A_47 : vector<1x512xf32> to vector<2048x512xf32>
    %add3A_49 = arith.addf %dot_general3A_44, %add3A_48 : vector<2048x512xf32>
    %swap3A_50 = arith.constant 0 : index
    %swap3A_51 = arith.constant 0 : index
    %swap3A_52 = vector.load %arg9[%swap3A_50, %swap3A_51] : memref<2048x512xf32, #tpu.memory_space<vmem>>, vector<2048x512xf32>
    tpu.vector_store %arg9[%swap3A_50, %swap3A_51], %add3A_49 {strides = array<i32>} : memref<2048x512xf32, #tpu.memory_space<vmem>>, vector<2048x512xf32>,
    return
  }
  func.func @transform_0(%arg0: i32) -> (i32, i32) {
    %c0_i32 = arith.constant 0 : i32
    %c0_i32_0 = arith.constant 0 : i32
    return %arg0, %c0_i32 : i32, i32
  }
  func.func @transform_1(%arg0: i32) -> (i32, i32) {
    %c0_i32 = arith.constant 0 : i32
    %c0_i32_0 = arith.constant 0 : i32
    return %arg0, %c0_i32 : i32, i32
  }
  func.func @transform_2(%arg0: i32) -> (i32, i32) {
    %c0_i32 = arith.constant 0 : i32
    %c0_i32_0 = arith.constant 0 : i32
    %c0_i32_1 = arith.constant 0 : i32
    return %c0_i32, %c0_i32_0 : i32, i32
  }
  func.func @transform_3(%arg0: i32) -> (i32, i32) {
    %c0_i32 = arith.constant 0 : i32
    %c0_i32_0 = arith.constant 0 : i32
    %c0_i32_1 = arith.constant 0 : i32
    return %c0_i32, %c0_i32_0 : i32, i32
  }
  func.func @transform_4(%arg0: i32) -> (i32, i32) {
    %c0_i32 = arith.constant 0 : i32
    %c0_i32_0 = arith.constant 0 : i32
    %c0_i32_1 = arith.constant 0 : i32
    return %c0_i32, %c0_i32_0 : i32, i32
  }
  func.func @transform_5(%arg0: i32) -> (i32, i32) {
    %c0_i32 = arith.constant 0 : i32
    %c0_i32_0 = arith.constant 0 : i32
    %c0_i32_1 = arith.constant 0 : i32
    return %c0_i32, %c0_i32_0 : i32, i32
  }
  func.func @transform_6(%arg0: i32) -> (i32, i32) {
    %c0_i32 = arith.constant 0 : i32
    %c0_i32_0 = arith.constant 0 : i32
    %c0_i32_1 = arith.constant 0 : i32
    return %c0_i32, %c0_i32_0 : i32, i32
  }
  func.func @transform_7(%arg0: i32) -> (i32, i32) {
    %c0_i32 = arith.constant 0 : i32
    %c0_i32_0 = arith.constant 0 : i32
    %c0_i32_1 = arith.constant 0 : i32
    return %c0_i32, %c0_i32_0 : i32, i32
  }
  func.func @transform_8(%arg0: i32) -> (i32, i32) {
    %c0_i32 = arith.constant 0 : i32
    %c0_i32_0 = arith.constant 0 : i32
    return %arg0, %c0_i32 : i32, i32
  }
  func.func @transform_9(%arg0: i32) -> (i32, i32) {
    %c0_i32 = arith.constant 0 : i32
    %c0_i32_0 = arith.constant 0 : i32
    %c0_i32_1 = arith.constant 0 : i32
    return %c0_i32, %c0_i32_0 : i32, i32
  }
}

module attributes {stable_mosaic.version = 14 : i64} {
  func.func @_encode_vq_body(%arg0: i32, %arg1: i32, %arg2: memref<2048x512xf32, #tpu.memory_space<vmem>>, %arg3: memref<2048x256xf32, #tpu.memory_space<vmem>>, %arg4: memref<512x1024xf32, #tpu.memory_space<vmem>>, %arg5: memref<1x1024xf32, #tpu.memory_space<vmem>>, %arg6: memref<1024x512xf32, #tpu.memory_space<vmem>>, %arg7: memref<1x512xf32, #tpu.memory_space<vmem>>, %arg8: memref<512x256xf32, #tpu.memory_space<vmem>>, %arg9: memref<1x256xf32, #tpu.memory_space<vmem>>, %arg10: memref<512x1024xf32, #tpu.memory_space<vmem>>, %arg11: memref<1x1024xf32, #tpu.memory_space<vmem>>, %arg12: memref<1024x512xf32, #tpu.memory_space<vmem>>, %arg13: memref<1x512xf32, #tpu.memory_space<vmem>>, %arg14: memref<512x256xf32, #tpu.memory_space<vmem>>, %arg15: memref<1x256xf32, #tpu.memory_space<vmem>>, %arg16: memref<256x512xf32, #tpu.memory_space<vmem>>, %arg17: memref<2048x256xf32, #tpu.memory_space<vmem>>, %arg18: memref<1x1x2048xi32, #tpu.memory_space<vmem>>, %arg19: memref<1x1xf32, #tpu.memory_space<vmem>>, %arg20: memref<1x8192xf32, #tpu.memory_space<vmem>>, %arg21: memref<2048x128xf32, #tpu.memory_space<vmem>>, %arg22: memref<2048x128xi32, #tpu.memory_space<vmem>>) attributes {dimension_semantics = [#tpu.dimension_semantics<arbitrary>, #tpu.dimension_semantics<arbitrary>], iteration_bounds = array<i64: 2, 16>, scalar_prefetch = 0 : i64, scratch_operands = 3 : i64, tpu.core_type = #tpu.core_type<tc>, window_params = [{transform_indices = @transform_0, window_bounds = array<i64: 2048, 512>}, {transform_indices = @transform_1, window_bounds = array<i64: 2048, 256>}, {pipeline_mode = #tpu.pipeline_mode<synchronous>, transform_indices = @transform_2, window_bounds = array<i64: 512, 1024>}, {pipeline_mode = #tpu.pipeline_mode<synchronous>, transform_indices = @transform_3, window_bounds = array<i64: 1, 1024>}, {pipeline_mode = #tpu.pipeline_mode<synchronous>, transform_indices = @transform_4, window_bounds = array<i64: 1024, 512>}, {pipeline_mode = #tpu.pipeline_mode<synchronous>, transform_indices = @transform_5, window_bounds = array<i64: 1, 512>}, {pipeline_mode = #tpu.pipeline_mode<synchronous>, transform_indices = @transform_6, window_bounds = array<i64: 512, 256>}, {pipeline_mode = #tpu.pipeline_mode<synchronous>, transform_indices = @transform_7, window_bounds = array<i64: 1, 256>}, {pipeline_mode = #tpu.pipeline_mode<synchronous>, transform_indices = @transform_8, window_bounds = array<i64: 512, 1024>}, {pipeline_mode = #tpu.pipeline_mode<synchronous>, transform_indices = @transform_9, window_bounds = array<i64: 1, 1024>}, {pipeline_mode = #tpu.pipeline_mode<synchronous>, transform_indices = @transform_10, window_bounds = array<i64: 1024, 512>}, {pipeline_mode = #tpu.pipeline_mode<synchronous>, transform_indices = @transform_11, window_bounds = array<i64: 1, 512>}, {pipeline_mode = #tpu.pipeline_mode<synchronous>, transform_indices = @transform_12, window_bounds = array<i64: 512, 256>}, {pipeline_mode = #tpu.pipeline_mode<synchronous>, transform_indices = @transform_13, window_bounds = array<i64: 1, 256>}, {transform_indices = @transform_14, window_bounds = array<i64: 256, 512>}, {transform_indices = @transform_15, window_bounds = array<i64: 2048, 256>}, {transform_indices = @transform_16, window_bounds = array<i64: 1, 1, 2048>}, {pipeline_mode = #tpu.pipeline_mode<synchronous>, transform_indices = @transform_17, window_bounds = array<i64: 1, 1>}]} {
    %eq3A = arith.constant 0 : i32
    %eq3A_0 = arith.cmpi eq, %arg1, %eq3A : i32
    %convert_element_type3A = arith.extui %eq3A_0 : i1 to i32
    %cond3A = arith.constant 0 : i32
    %cond3A_1 = arith.cmpi ne, %convert_element_type3A, %cond3A : i32
    scf.if %cond3A_1 {
      %get3A_71 = arith.constant 0 : index
      %get3A_72 = arith.constant 0 : index
      %get3A_73 = vector.load %arg2[%get3A_71, %get3A_72] : memref<2048x512xf32, #tpu.memory_space<vmem>>, vector<2048x512xf32>
      %get3A_74 = arith.constant 0 : index
      %get3A_75 = arith.constant 0 : index
      %get3A_76 = vector.load %arg4[%get3A_74, %get3A_75] : memref<512x1024xf32, #tpu.memory_space<vmem>>, vector<512x1024xf32>
      %dot_general3A_77 = arith.constant dense<0.000000e+00> : vector<2048x1024xf32>
      %dot_general3A_78 = tpu.matmul %get3A_73, %get3A_76, %dot_general3A_77 {dimension_numbers = #tpu.dot_dimension_numbers<[1], [0], [0], [1], [0, 0, 1, 1], [], []>, transpose_lhs_hint = false} : vector<2048x512xf32>, vector<512x1024xf32>, vector<2048x1024xf32> -> vector<2048x1024xf32>
      %get3A_79 = arith.constant 0 : index
      %get3A_80 = arith.constant 0 : index
      %get3A_81 = vector.load %arg5[%get3A_79, %get3A_80] : memref<1x1024xf32, #tpu.memory_space<vmem>>, vector<1x1024xf32>
      %add3A_82 = vector.broadcast %get3A_81 : vector<1x1024xf32> to vector<2048x1024xf32>
      %add3A_83 = arith.addf %dot_general3A_78, %add3A_82 : vector<2048x1024xf32>
      %tanh3A = math.tanh %add3A_83 : vector<2048x1024xf32>
      %get3A_84 = arith.constant 0 : index
      %get3A_85 = arith.constant 0 : index
      %get3A_86 = vector.load %arg6[%get3A_84, %get3A_85] : memref<1024x512xf32, #tpu.memory_space<vmem>>, vector<1024x512xf32>
      %dot_general3A_87 = arith.constant dense<0.000000e+00> : vector<2048x512xf32>
      %dot_general3A_88 = tpu.matmul %tanh3A, %get3A_86, %dot_general3A_87 {dimension_numbers = #tpu.dot_dimension_numbers<[1], [0], [0], [1], [0, 0, 1, 1], [], []>, transpose_lhs_hint = false} : vector<2048x1024xf32>, vector<1024x512xf32>, vector<2048x512xf32> -> vector<2048x512xf32>
      %get3A_89 = arith.constant 0 : index
      %get3A_90 = arith.constant 0 : index
      %get3A_91 = vector.load %arg7[%get3A_89, %get3A_90] : memref<1x512xf32, #tpu.memory_space<vmem>>, vector<1x512xf32>
      %add3A_92 = vector.broadcast %get3A_91 : vector<1x512xf32> to vector<2048x512xf32>
      %add3A_93 = arith.addf %dot_general3A_88, %add3A_92 : vector<2048x512xf32>
      %tanh3A_94 = math.tanh %add3A_93 : vector<2048x512xf32>
      %get3A_95 = arith.constant 0 : index
      %get3A_96 = arith.constant 0 : index
      %get3A_97 = vector.load %arg8[%get3A_95, %get3A_96] : memref<512x256xf32, #tpu.memory_space<vmem>>, vector<512x256xf32>
      %dot_general3A_98 = arith.constant dense<0.000000e+00> : vector<2048x256xf32>
      %dot_general3A_99 = tpu.matmul %tanh3A_94, %get3A_97, %dot_general3A_98 {dimension_numbers = #tpu.dot_dimension_numbers<[1], [0], [0], [1], [0, 0, 1, 1], [], []>, transpose_lhs_hint = false} : vector<2048x512xf32>, vector<512x256xf32>, vector<2048x256xf32> -> vector<2048x256xf32>
      %get3A_100 = arith.constant 0 : index
      %get3A_101 = arith.constant 0 : index
      %get3A_102 = vector.load %arg9[%get3A_100, %get3A_101] : memref<1x256xf32, #tpu.memory_space<vmem>>, vector<1x256xf32>
      %add3A_103 = vector.broadcast %get3A_102 : vector<1x256xf32> to vector<2048x256xf32>
      %add3A_104 = arith.addf %dot_general3A_99, %add3A_103 : vector<2048x256xf32>
      %get3A_105 = arith.constant 0 : index
      %get3A_106 = arith.constant 0 : index
      %get3A_107 = vector.load %arg10[%get3A_105, %get3A_106] : memref<512x1024xf32, #tpu.memory_space<vmem>>, vector<512x1024xf32>
      %dot_general3A_108 = arith.constant dense<0.000000e+00> : vector<2048x1024xf32>
      %dot_general3A_109 = tpu.matmul %get3A_73, %get3A_107, %dot_general3A_108 {dimension_numbers = #tpu.dot_dimension_numbers<[1], [0], [0], [1], [0, 0, 1, 1], [], []>, transpose_lhs_hint = false} : vector<2048x512xf32>, vector<512x1024xf32>, vector<2048x1024xf32> -> vector<2048x1024xf32>
      %get3A_110 = arith.constant 0 : index
      %get3A_111 = arith.constant 0 : index
      %get3A_112 = vector.load %arg11[%get3A_110, %get3A_111] : memref<1x1024xf32, #tpu.memory_space<vmem>>, vector<1x1024xf32>
      %add3A_113 = vector.broadcast %get3A_112 : vector<1x1024xf32> to vector<2048x1024xf32>
      %add3A_114 = arith.addf %dot_general3A_109, %add3A_113 : vector<2048x1024xf32>
      %tanh3A_115 = math.tanh %add3A_114 : vector<2048x1024xf32>
      %get3A_116 = arith.constant 0 : index
      %get3A_117 = arith.constant 0 : index
      %get3A_118 = vector.load %arg12[%get3A_116, %get3A_117] : memref<1024x512xf32, #tpu.memory_space<vmem>>, vector<1024x512xf32>
      %dot_general3A_119 = arith.constant dense<0.000000e+00> : vector<2048x512xf32>
      %dot_general3A_120 = tpu.matmul %tanh3A_115, %get3A_118, %dot_general3A_119 {dimension_numbers = #tpu.dot_dimension_numbers<[1], [0], [0], [1], [0, 0, 1, 1], [], []>, transpose_lhs_hint = false} : vector<2048x1024xf32>, vector<1024x512xf32>, vector<2048x512xf32> -> vector<2048x512xf32>
      %get3A_121 = arith.constant 0 : index
      %get3A_122 = arith.constant 0 : index
      %get3A_123 = vector.load %arg13[%get3A_121, %get3A_122] : memref<1x512xf32, #tpu.memory_space<vmem>>, vector<1x512xf32>
      %add3A_124 = vector.broadcast %get3A_123 : vector<1x512xf32> to vector<2048x512xf32>
      %add3A_125 = arith.addf %dot_general3A_120, %add3A_124 : vector<2048x512xf32>
      %tanh3A_126 = math.tanh %add3A_125 : vector<2048x512xf32>
      %get3A_127 = arith.constant 0 : index
      %get3A_128 = arith.constant 0 : index
      %get3A_129 = vector.load %arg14[%get3A_127, %get3A_128] : memref<512x256xf32, #tpu.memory_space<vmem>>, vector<512x256xf32>
      %dot_general3A_130 = arith.constant dense<0.000000e+00> : vector<2048x256xf32>
      %dot_general3A_131 = tpu.matmul %tanh3A_126, %get3A_129, %dot_general3A_130 {dimension_numbers = #tpu.dot_dimension_numbers<[1], [0], [0], [1], [0, 0, 1, 1], [], []>, transpose_lhs_hint = false} : vector<2048x512xf32>, vector<512x256xf32>, vector<2048x256xf32> -> vector<2048x256xf32>
      %get3A_132 = arith.constant 0 : index
      %get3A_133 = arith.constant 0 : index
      %get3A_134 = vector.load %arg15[%get3A_132, %get3A_133] : memref<1x256xf32, #tpu.memory_space<vmem>>, vector<1x256xf32>
      %add3A_135 = vector.broadcast %get3A_134 : vector<1x256xf32> to vector<2048x256xf32>
      %add3A_136 = arith.addf %dot_general3A_131, %add3A_135 : vector<2048x256xf32>
      %mul3A_137 = arith.constant 5.000000e-01 : f32
      %mul3A_138 = vector.broadcast %mul3A_137 : f32 to vector<2048x256xf32>
      %mul3A_139 = arith.mulf %mul3A_138, %add3A_136 : vector<2048x256xf32>
      %exp3A = math.exp %mul3A_139 : vector<2048x256xf32>
      %get3A_140 = arith.constant 0 : index
      %get3A_141 = arith.constant 0 : index
      %get3A_142 = vector.load %arg3[%get3A_140, %get3A_141] : memref<2048x256xf32, #tpu.memory_space<vmem>>, vector<2048x256xf32>
      %mul3A_143 = arith.mulf %exp3A, %get3A_142 : vector<2048x256xf32>
      %add3A_144 = arith.addf %add3A_104, %mul3A_143 : vector<2048x256xf32>
      %mul3A_145 = arith.constant -2.000000e+00 : f32
      %mul3A_146 = vector.broadcast %mul3A_145 : f32 to vector<2048x256xf32>
      %mul3A_147 = arith.mulf %mul3A_146, %add3A_144 : vector<2048x256xf32>
      %swap3A_148 = arith.constant 0 : index
      %swap3A_149 = arith.constant 0 : index
      %swap3A_150 = vector.load %arg17[%swap3A_148, %swap3A_149] : memref<2048x256xf32, #tpu.memory_space<vmem>>, vector<2048x256xf32>
      tpu.vector_store %arg17[%swap3A_148, %swap3A_149], %mul3A_147 {strides = array<i32>} : memref<2048x256xf32, #tpu.memory_space<vmem>>, vector<2048x256xf32>,
      %add3A_151 = arith.constant 1.000000e+00 : f32
      %add3A_152 = vector.broadcast %add3A_151 : f32 to vector<2048x256xf32>
      %add3A_153 = arith.addf %add3A_152, %add3A_136 : vector<2048x256xf32>
      %mul3A_154 = arith.mulf %add3A_104, %add3A_104 : vector<2048x256xf32>
      %sub3A = arith.subf %add3A_153, %mul3A_154 : vector<2048x256xf32>
      %exp3A_155 = math.exp %add3A_136 : vector<2048x256xf32>
      %sub3A_156 = arith.subf %sub3A, %exp3A_155 : vector<2048x256xf32>
      %reduce_sum3A = vector.shape_cast %sub3A_156 : vector<2048x256xf32> to vector<1x2048x256xf32>
      %reduce_sum3A_157 = arith.constant dense<0.000000e+00> : vector<1xf32>
      %reduce_sum3A_158 = vector.multi_reduction <add>, %reduce_sum3A, %reduce_sum3A_157 [1, 2] : vector<1x2048x256xf32> to vector<1xf32>
      %reduce_sum3A_159 = vector.shape_cast %reduce_sum3A_158 : vector<1xf32> to vector<1x1x1xf32>
      %reduce_sum3A_160 = vector.extract %reduce_sum3A_159[0, 0, 0] : f32 from vector<1x1x1xf32>
      %broadcast_in_dim3A = vector.broadcast %reduce_sum3A_160 : f32 to vector<1x1xf32>
      %eq3A_161 = arith.constant 0 : i32
      %eq3A_162 = arith.cmpi eq, %arg0, %eq3A_161 : i32
      %convert_element_type3A_163 = arith.extui %eq3A_162 : i1 to i32
      %cond3A_164 = arith.constant 0 : i32
      %cond3A_165 = arith.cmpi ne, %convert_element_type3A_163, %cond3A_164 : i32
      scf.if %cond3A_165 {
        %broadcast_in_dim3A_183 = arith.constant 0.000000e+00 : f32
        %broadcast_in_dim3A_184 = vector.broadcast %broadcast_in_dim3A_183 : f32 to vector<1x1xf32>
        %swap3A_185 = arith.constant 0 : index
        %swap3A_186 = arith.constant 0 : index
        %swap3A_187 = vector.load %arg19[%swap3A_185, %swap3A_186] : memref<1x1xf32, #tpu.memory_space<vmem>>, vector<1x1xf32>
        tpu.vector_store %arg19[%swap3A_185, %swap3A_186], %broadcast_in_dim3A_184 {strides = array<i32>} : memref<1x1xf32, #tpu.memory_space<vmem>>, vector<1x1xf32>,
      } else {
      }
      %get3A_166 = arith.constant 0 : index
      %get3A_167 = arith.constant 0 : index
      %get3A_168 = vector.load %arg19[%get3A_166, %get3A_167] : memref<1x1xf32, #tpu.memory_space<vmem>>, vector<1x1xf32>
      %add3A_169 = arith.addf %get3A_168, %broadcast_in_dim3A : vector<1x1xf32>
      %swap3A_170 = arith.constant 0 : index
      %swap3A_171 = arith.constant 0 : index
      %swap3A_172 = vector.load %arg19[%swap3A_170, %swap3A_171] : memref<1x1xf32, #tpu.memory_space<vmem>>, vector<1x1xf32>
      tpu.vector_store %arg19[%swap3A_170, %swap3A_171], %add3A_169 {strides = array<i32>} : memref<1x1xf32, #tpu.memory_space<vmem>>, vector<1x1xf32>,
      %broadcast_in_dim3A_173 = arith.constant 0x7F800000 : f32
      %broadcast_in_dim3A_174 = vector.broadcast %broadcast_in_dim3A_173 : f32 to vector<2048x128xf32>
      %swap3A_175 = arith.constant 0 : index
      %swap3A_176 = arith.constant 0 : index
      %swap3A_177 = vector.load %arg21[%swap3A_175, %swap3A_176] : memref<2048x128xf32, #tpu.memory_space<vmem>>, vector<2048x128xf32>
      tpu.vector_store %arg21[%swap3A_175, %swap3A_176], %broadcast_in_dim3A_174 {strides = array<i32>} : memref<2048x128xf32, #tpu.memory_space<vmem>>, vector<2048x128xf32>,
      %broadcast_in_dim3A_178 = arith.constant 0 : i32
      %broadcast_in_dim3A_179 = vector.broadcast %broadcast_in_dim3A_178 : i32 to vector<2048x128xi32>
      %swap3A_180 = arith.constant 0 : index
      %swap3A_181 = arith.constant 0 : index
      %swap3A_182 = vector.load %arg22[%swap3A_180, %swap3A_181] : memref<2048x128xi32, #tpu.memory_space<vmem>>, vector<2048x128xi32>
      tpu.vector_store %arg22[%swap3A_180, %swap3A_181], %broadcast_in_dim3A_179 {strides = array<i32>} : memref<2048x128xi32, #tpu.memory_space<vmem>>, vector<2048x128xi32>,
    } else {
    }
    %get3A = arith.constant 0 : index
    %get3A_2 = arith.constant 0 : index
    %get3A_3 = vector.load %arg16[%get3A, %get3A_2] : memref<256x512xf32, #tpu.memory_space<vmem>>, vector<256x512xf32>
    %eq3A_4 = arith.constant 0 : i32
    %eq3A_5 = arith.cmpi eq, %arg0, %eq3A_4 : i32
    %convert_element_type3A_6 = arith.extui %eq3A_5 : i1 to i32
    %cond3A_7 = arith.constant 0 : i32
    %cond3A_8 = arith.cmpi ne, %convert_element_type3A_6, %cond3A_7 : i32
    scf.if %cond3A_8 {
      %mul3A_71 = arith.mulf %get3A_3, %get3A_3 : vector<256x512xf32>
      %reduce_sum3A = arith.constant dense<0.000000e+00> : vector<512xf32>
      %reduce_sum3A_72 = vector.multi_reduction <add>, %mul3A_71, %reduce_sum3A [0] : vector<256x512xf32> to vector<512xf32>
      %broadcast_in_dim3A = vector.shape_cast %reduce_sum3A_72 : vector<512xf32> to vector<1x512xf32>
      %mul3A_73 = arith.constant 512 : i32
      %mul3A_74 = arith.muli %arg1, %mul3A_73 : i32
      %swap3A_75 = arith.constant 0 : index
      %swap3A_76 = arith.index_cast %mul3A_74 : i32 to index
      %swap3A_77 = vector.load %arg20[%swap3A_75, %swap3A_76] : memref<1x8192xf32, #tpu.memory_space<vmem>>, vector<1x512xf32>
      tpu.vector_store %arg20[%swap3A_75, %swap3A_76], %broadcast_in_dim3A {strides = array<i32>} : memref<1x8192xf32, #tpu.memory_space<vmem>>, vector<1x512xf32>,
    } else {
    }
    %mul3A = arith.constant 512 : i32
    %mul3A_9 = arith.muli %arg1, %mul3A : i32
    %get3A_10 = arith.constant 0 : index
    %get3A_11 = arith.index_cast %mul3A_9 : i32 to index
    %get3A_12 = vector.load %arg20[%get3A_10, %get3A_11] : memref<1x8192xf32, #tpu.memory_space<vmem>>, vector<1x512xf32>
    %get3A_13 = arith.constant 0 : index
    %get3A_14 = arith.constant 0 : index
    %get3A_15 = vector.load %arg17[%get3A_13, %get3A_14] : memref<2048x256xf32, #tpu.memory_space<vmem>>, vector<2048x256xf32>
    %dot_general3A = arith.constant dense<0.000000e+00> : vector<2048x512xf32>
    %dot_general3A_16 = tpu.matmul %get3A_15, %get3A_3, %dot_general3A {dimension_numbers = #tpu.dot_dimension_numbers<[1], [0], [0], [1], [0, 0, 1, 1], [], []>, transpose_lhs_hint = false} : vector<2048x256xf32>, vector<256x512xf32>, vector<2048x512xf32> -> vector<2048x512xf32>
    %add3A = vector.broadcast %get3A_12 : vector<1x512xf32> to vector<2048x512xf32>
    %add3A_17 = arith.addf %dot_general3A_16, %add3A : vector<2048x512xf32>
    %get3A_18 = arith.constant 0 : index
    %get3A_19 = arith.constant 0 : index
    %get3A_20 = vector.load %arg21[%get3A_18, %get3A_19] : memref<2048x128xf32, #tpu.memory_space<vmem>>, vector<2048x128xf32>
    %get3A_21 = arith.constant 0 : index
    %get3A_22 = arith.constant 0 : index
    %get3A_23 = vector.load %arg22[%get3A_21, %get3A_22] : memref<2048x128xi32, #tpu.memory_space<vmem>>, vector<2048x128xi32>
    %iota3A = tpu.iota {dimensions = array<i32: 1>} : vector<2048x128xi32>
    %slice3A = vector.extract_strided_slice %add3A_17 {offsets = [0, 0], sizes = [2048, 128], strides = [1, 1]} : vector<2048x512xf32> to vector<2048x128xf32>
    %mul3A_24 = arith.constant 512 : i32
    %mul3A_25 = arith.muli %arg1, %mul3A_24 : i32
    %add3A_26 = arith.constant 0 : i32
    %add3A_27 = arith.addi %mul3A_25, %add3A_26 : i32
    %add3A_28 = vector.broadcast %add3A_27 : i32 to vector<2048x128xi32>
    %add3A_29 = arith.addi %iota3A, %add3A_28 : vector<2048x128xi32>
    %lt3A = arith.cmpf olt, %slice3A, %get3A_20 : vector<2048x128xf32>
    %select_n3A = arith.select %lt3A, %slice3A, %get3A_20 : vector<2048x128xi1>, vector<2048x128xf32>
    %select_n3A_30 = arith.select %lt3A, %add3A_29, %get3A_23 : vector<2048x128xi1>, vector<2048x128xi32>
    %slice3A_31 = vector.extract_strided_slice %add3A_17 {offsets = [0, 128], sizes = [2048, 128], strides = [1, 1]} : vector<2048x512xf32> to vector<2048x128xf32>
    %mul3A_32 = arith.constant 512 : i32
    %mul3A_33 = arith.muli %arg1, %mul3A_32 : i32
    %add3A_34 = arith.constant 128 : i32
    %add3A_35 = arith.addi %mul3A_33, %add3A_34 : i32
    %add3A_36 = vector.broadcast %add3A_35 : i32 to vector<2048x128xi32>
    %add3A_37 = arith.addi %iota3A, %add3A_36 : vector<2048x128xi32>
    %lt3A_38 = arith.cmpf olt, %slice3A_31, %select_n3A : vector<2048x128xf32>
    %select_n3A_39 = arith.select %lt3A_38, %slice3A_31, %select_n3A : vector<2048x128xi1>, vector<2048x128xf32>
    %select_n3A_40 = arith.select %lt3A_38, %add3A_37, %select_n3A_30 : vector<2048x128xi1>, vector<2048x128xi32>
    %slice3A_41 = vector.extract_strided_slice %add3A_17 {offsets = [0, 256], sizes = [2048, 128], strides = [1, 1]} : vector<2048x512xf32> to vector<2048x128xf32>
    %mul3A_42 = arith.constant 512 : i32
    %mul3A_43 = arith.muli %arg1, %mul3A_42 : i32
    %add3A_44 = arith.constant 256 : i32
    %add3A_45 = arith.addi %mul3A_43, %add3A_44 : i32
    %add3A_46 = vector.broadcast %add3A_45 : i32 to vector<2048x128xi32>
    %add3A_47 = arith.addi %iota3A, %add3A_46 : vector<2048x128xi32>
    %lt3A_48 = arith.cmpf olt, %slice3A_41, %select_n3A_39 : vector<2048x128xf32>
    %select_n3A_49 = arith.select %lt3A_48, %slice3A_41, %select_n3A_39 : vector<2048x128xi1>, vector<2048x128xf32>
    %select_n3A_50 = arith.select %lt3A_48, %add3A_47, %select_n3A_40 : vector<2048x128xi1>, vector<2048x128xi32>
    %slice3A_51 = vector.extract_strided_slice %add3A_17 {offsets = [0, 384], sizes = [2048, 128], strides = [1, 1]} : vector<2048x512xf32> to vector<2048x128xf32>
    %mul3A_52 = arith.constant 512 : i32
    %mul3A_53 = arith.muli %arg1, %mul3A_52 : i32
    %add3A_54 = arith.constant 384 : i32
    %add3A_55 = arith.addi %mul3A_53, %add3A_54 : i32
    %add3A_56 = vector.broadcast %add3A_55 : i32 to vector<2048x128xi32>
    %add3A_57 = arith.addi %iota3A, %add3A_56 : vector<2048x128xi32>
    %lt3A_58 = arith.cmpf olt, %slice3A_51, %select_n3A_49 : vector<2048x128xf32>
    %select_n3A_59 = arith.select %lt3A_58, %slice3A_51, %select_n3A_49 : vector<2048x128xi1>, vector<2048x128xf32>
    %select_n3A_60 = arith.select %lt3A_58, %add3A_57, %select_n3A_50 : vector<2048x128xi1>, vector<2048x128xi32>
    %swap3A = arith.constant 0 : index
    %swap3A_61 = arith.constant 0 : index
    %swap3A_62 = vector.load %arg21[%swap3A, %swap3A_61] : memref<2048x128xf32, #tpu.memory_space<vmem>>, vector<2048x128xf32>
    tpu.vector_store %arg21[%swap3A, %swap3A_61], %select_n3A_59 {strides = array<i32>} : memref<2048x128xf32, #tpu.memory_space<vmem>>, vector<2048x128xf32>,
    %swap3A_63 = arith.constant 0 : index
    %swap3A_64 = arith.constant 0 : index
    %swap3A_65 = vector.load %arg22[%swap3A_63, %swap3A_64] : memref<2048x128xi32, #tpu.memory_space<vmem>>, vector<2048x128xi32>
    tpu.vector_store %arg22[%swap3A_63, %swap3A_64], %select_n3A_60 {strides = array<i32>} : memref<2048x128xi32, #tpu.memory_space<vmem>>, vector<2048x128xi32>,
    %eq3A_66 = arith.constant 15 : i32
    %eq3A_67 = arith.cmpi eq, %arg1, %eq3A_66 : i32
    %convert_element_type3A_68 = arith.extui %eq3A_67 : i1 to i32
    %cond3A_69 = arith.constant 0 : i32
    %cond3A_70 = arith.cmpi ne, %convert_element_type3A_68, %cond3A_69 : i32
    scf.if %cond3A_70 {
      %reduce_min3A = arith.constant dense<0x7F800000> : vector<2048xf32>
      %reduce_min3A_71 = vector.multi_reduction <minimumf>, %select_n3A_59, %reduce_min3A [1] : vector<2048x128xf32> to vector<2048xf32>
      %broadcast_in_dim3A = vector.shape_cast %reduce_min3A_71 : vector<2048xf32> to vector<2048x1xf32>
      %eq3A_72 = vector.broadcast %broadcast_in_dim3A : vector<2048x1xf32> to vector<2048x128xf32>
      %eq3A_73 = arith.cmpf oeq, %select_n3A_59, %eq3A_72 : vector<2048x128xf32>
      %jit3A = arith.constant 1073741824 : i32
      %broadcast_in_dim3A_74 = vector.broadcast %jit3A : i32 to vector<2048x128xi32>
      %select_n3A_75 = arith.select %eq3A_73, %select_n3A_60, %broadcast_in_dim3A_74 : vector<2048x128xi1>, vector<2048x128xi32>
      %reduce_min3A_76 = arith.constant dense<2147483647> : vector<2048xi32>
      %reduce_min3A_77 = vector.multi_reduction <minsi>, %select_n3A_75, %reduce_min3A_76 [1] : vector<2048x128xi32> to vector<2048xi32>
      %reshape3A = vector.shape_cast %reduce_min3A_77 : vector<2048xi32> to vector<1x1x2048xi32>
      %swap3A_78 = arith.constant 0 : index
      %swap3A_79 = arith.constant 0 : index
      %swap3A_80 = arith.constant 0 : index
      %swap3A_81 = vector.load %arg18[%swap3A_78, %swap3A_79, %swap3A_80] : memref<1x1x2048xi32, #tpu.memory_space<vmem>>, vector<1x1x2048xi32>
      tpu.vector_store %arg18[%swap3A_78, %swap3A_79, %swap3A_80], %reshape3A {strides = array<i32>} : memref<1x1x2048xi32, #tpu.memory_space<vmem>>, vector<1x1x2048xi32>,
    } else {
    }
    return
  }
  func.func @transform_0(%arg0: i32, %arg1: i32) -> (i32, i32) {
    %c0_i32 = arith.constant 0 : i32
    %c0_i32_0 = arith.constant 0 : i32
    return %arg0, %c0_i32 : i32, i32
  }
  func.func @transform_1(%arg0: i32, %arg1: i32) -> (i32, i32) {
    %c0_i32 = arith.constant 0 : i32
    %c0_i32_0 = arith.constant 0 : i32
    return %arg0, %c0_i32 : i32, i32
  }
  func.func @transform_2(%arg0: i32, %arg1: i32) -> (i32, i32) {
    %c0_i32 = arith.constant 0 : i32
    %c0_i32_0 = arith.constant 0 : i32
    %c0_i32_1 = arith.constant 0 : i32
    return %c0_i32, %c0_i32_0 : i32, i32
  }
  func.func @transform_3(%arg0: i32, %arg1: i32) -> (i32, i32) {
    %c0_i32 = arith.constant 0 : i32
    %c0_i32_0 = arith.constant 0 : i32
    %c0_i32_1 = arith.constant 0 : i32
    return %c0_i32, %c0_i32_0 : i32, i32
  }
  func.func @transform_4(%arg0: i32, %arg1: i32) -> (i32, i32) {
    %c0_i32 = arith.constant 0 : i32
    %c0_i32_0 = arith.constant 0 : i32
    %c0_i32_1 = arith.constant 0 : i32
    return %c0_i32, %c0_i32_0 : i32, i32
  }
  func.func @transform_5(%arg0: i32, %arg1: i32) -> (i32, i32) {
    %c0_i32 = arith.constant 0 : i32
    %c0_i32_0 = arith.constant 0 : i32
    %c0_i32_1 = arith.constant 0 : i32
    return %c0_i32, %c0_i32_0 : i32, i32
  }
  func.func @transform_6(%arg0: i32, %arg1: i32) -> (i32, i32) {
    %c0_i32 = arith.constant 0 : i32
    %c0_i32_0 = arith.constant 0 : i32
    %c0_i32_1 = arith.constant 0 : i32
    return %c0_i32, %c0_i32_0 : i32, i32
  }
  func.func @transform_7(%arg0: i32, %arg1: i32) -> (i32, i32) {
    %c0_i32 = arith.constant 0 : i32
    %c0_i32_0 = arith.constant 0 : i32
    %c0_i32_1 = arith.constant 0 : i32
    return %c0_i32, %c0_i32_0 : i32, i32
  }
  func.func @transform_8(%arg0: i32, %arg1: i32) -> (i32, i32) {
    %c0_i32 = arith.constant 0 : i32
    %c0_i32_0 = arith.constant 0 : i32
    %c0_i32_1 = arith.constant 0 : i32
    return %c0_i32, %c0_i32_0 : i32, i32
  }
  func.func @transform_9(%arg0: i32, %arg1: i32) -> (i32, i32) {
    %c0_i32 = arith.constant 0 : i32
    %c0_i32_0 = arith.constant 0 : i32
    %c0_i32_1 = arith.constant 0 : i32
    return %c0_i32, %c0_i32_0 : i32, i32
  }
  func.func @transform_10(%arg0: i32, %arg1: i32) -> (i32, i32) {
    %c0_i32 = arith.constant 0 : i32
    %c0_i32_0 = arith.constant 0 : i32
    %c0_i32_1 = arith.constant 0 : i32
    return %c0_i32, %c0_i32_0 : i32, i32
  }
  func.func @transform_11(%arg0: i32, %arg1: i32) -> (i32, i32) {
    %c0_i32 = arith.constant 0 : i32
    %c0_i32_0 = arith.constant 0 : i32
    %c0_i32_1 = arith.constant 0 : i32
    return %c0_i32, %c0_i32_0 : i32, i32
  }
  func.func @transform_12(%arg0: i32, %arg1: i32) -> (i32, i32) {
    %c0_i32 = arith.constant 0 : i32
    %c0_i32_0 = arith.constant 0 : i32
    %c0_i32_1 = arith.constant 0 : i32
    return %c0_i32, %c0_i32_0 : i32, i32
  }
  func.func @transform_13(%arg0: i32, %arg1: i32) -> (i32, i32) {
    %c0_i32 = arith.constant 0 : i32
    %c0_i32_0 = arith.constant 0 : i32
    %c0_i32_1 = arith.constant 0 : i32
    return %c0_i32, %c0_i32_0 : i32, i32
  }
  func.func @transform_14(%arg0: i32, %arg1: i32) -> (i32, i32) {
    %c0_i32 = arith.constant 0 : i32
    %c0_i32_0 = arith.constant 0 : i32
    return %c0_i32, %arg1 : i32, i32
  }
  func.func @transform_15(%arg0: i32, %arg1: i32) -> (i32, i32) {
    %c0_i32 = arith.constant 0 : i32
    %c0_i32_0 = arith.constant 0 : i32
    return %arg0, %c0_i32 : i32, i32
  }
  func.func @transform_16(%arg0: i32, %arg1: i32) -> (i32, i32, i32) {
    %c0_i32 = arith.constant 0 : i32
    %c0_i32_0 = arith.constant 0 : i32
    %c0_i32_1 = arith.constant 0 : i32
    return %arg0, %c0_i32, %c0_i32_0 : i32, i32, i32
  }
  func.func @transform_17(%arg0: i32, %arg1: i32) -> (i32, i32) {
    %c0_i32 = arith.constant 0 : i32
    %c0_i32_0 = arith.constant 0 : i32
    %c0_i32_1 = arith.constant 0 : i32
    return %c0_i32, %c0_i32_0 : i32, i32
  }
}

</mosaic_0001>

<sc_bundles>
// kernel: kernel.5.cloned.1.call-start
scs
__scs_entry_jumppad:
0x0: {  	(pc) =	sbr.rel $0x88, $3  }
0x1: {  	(tag) =	ssettag $0x0;
	lr =	simm.s32 $0x1  }
0x2: {  	[smem:$0x3F8C] =	sst lr;
	_ =	strace $0xD0000000  }
0x3: {  	_ = 	snop  }
0x4: {  	_ = 	snop  }
0x5: {  	_ = 	snop  }
0x6: {  	_ = 	snop  }
0x7: {  	_ = 	snop  }
__scs_overlays_trampoline_lowered:
0x8: {  	[smem:$0x3F9B] =	sst s0  }
0x9: {  	[smem:$0x3F9C] =	sst s1  }
0xa: {  	[smem:$0x3F9D] =	sst s2  }
0xb: {  	[smem:$0x3F9E] =	sst s3  }
0xc: {  	[smem:$0x3F9F] =	sst s4  }
0xd: {  	[smem:$0x3FA0] =	sst s5  }
0xe: {  	[smem:$0x3FA1] =	sst s6  }
0xf: {  	[smem:$0x3FA2] =	sst s7  }
0x10: {  	[smem:$0x3FA3] =	sst s8  }
0x11: {  	[smem:$0x3FA4] =	sst s9;
	s0 =	simm.s32 @!p0 $0x0  }
0x12: {  	s1 =	sld [smem:$0x3F8A];
	s0 =	simm.s32 @p0 $0x1  }
0x13: {  	[smem:$0x3FA5] =	sst s0;
	s0 =	simm.s32 @!p1 $0x0  }
0x14: {  	s2 =	sld [smem:$0x3F89];
	s0 =	simm.s32 @p1 $0x1  }
0x15: {  	[smem:$0x3FA6] =	sst s0;
	s0 =	simm.s32 @!p2 $0x0  }
0x16: {  	s3 =	sld [smem:$0x3FDB];
	s0 =	simm.s32 @p2 $0x1  }
0x17: {  	s4 =	simm.s32 $0x1BF5;
	[smem:$0x3FA8] =	sst s0  }
0x18: {  	s0 =	sld [smem:$0x3F8B];
	_ =	swait.ge [sflag:s4], $0x0  }
0x19: {  	s7 =	sld [smem:$0x3F8C]  }
0x1a: {  	s8 =	sadd.s32 $0xFFFFE003, lr  }
0x1b: {  	s9 =	sadd.s32 $0xFFFFFEF7, lr;
	s5 =	simm.s32 $0xFFFFFFFF;
	p2 =	slt.u32 s8, $0xFFFFF086  }
0x1c: {  	p1 =	slt.u32 s9, $0xF7A;
	s5 =	simm.s32 @!p2 $0x0  }
0x1d: {  	s5 =	simm.s32 @p1 $0x1;
	p0 =	seq.s32 s7, s2  }
0x1e: {  	s7 =	smul.u32 @!p0 $0xF7A, s2;
	p2 =	seq.s32 @!p0 s5, $0x0  }
0x1f: {  	s9 =	smul.u32 $0xF7A, s1;
	s8 =	simm.s32 @!p0 $0x1BF5;
	p2 =	por !p2, p0  }
0x20: {  	[sflag:s8] =	ssyncset.s32 @!p0 $0xFFFFF086;
	s6 =	sadd.s32 @!p0 s3, s7;
	s7 =	simm.s32 @!p0 $0x108  }
0x21: {  	s3 =	sadd.s32 s3, s9;
	s6 =	sadd.s32 @!p0 $0x88, s6;
	s7 =	simm.s32 @p2 $0x1082  }
0x22: {  	[simem:s7], [sflag:s8] =	dma.local @!p0 [hbm:s6], $0xF7A  }
0x23: {  	s9 =	sor.u32 $0xD0000000, s2;
	s6 =	simm.s32 $0x108;
	_ =	swait.ge @!p0 [sflag:s8], $0x0  }
0x24: {  	s3 =	sadd.s32 $0x88, s3;
	s6 =	simm.s32 @!p1 $0x1082;
	[sflag:s4] =	ssyncset.s32 $0xFFFFF086  }
0x25: {  	[simem:s6], [sflag:s4] =	dma.local [hbm:s3], $0xF7A  }
0x26: {  	[smem:$0x3F8C] =	sst s1;
	(tag) =	ssettag s2;
	_ =	strace s9  }
0x27: {  	s1 =	sld [smem:$0x3F9C]  }
0x28: {  	s2 =	sld [smem:$0x3F9D]  }
0x29: {  	s4 =	sld [smem:$0x3F9F]  }
0x2a: {  	p0 =	seq.s32 s5, $0x0;
	s5 =	sld [smem:$0x3FA0]  }
0x2b: {  	s6 =	sld [smem:$0x3FA1]  }
0x2c: {  	s7 =	sld [smem:$0x3FA2]  }
0x2d: {  	s3 =	simm.s32 $0x108;
	s8 =	sld [smem:$0x3FA3]  }
0x2e: {  	s3 =	simm.s32 @!p0 $0x1082;
	s9 =	sld [smem:$0x3FA4]  }
0x2f: {  	lr =	sadd.s32 s0, s3;
	s0 =	sld [smem:$0x3F9B]  }
0x30: {  	s3 =	sld [smem:$0x3F9E]  }
0x31: {  	[smem:$0x3FA7] =	sst s10  }
0x32: {  	s10 =	sld [smem:$0x3FA5];
	_ =	sdelay $0x3  }
0x33: {  	p0 =	seq.s32 s10, $0x1;
	s10 =	sld [smem:$0x3FA7];
	_ =	sdelay $0x3  }
0x34: {  	[smem:$0x3FA7] =	sst s10  }
0x35: {  	s10 =	sld [smem:$0x3FA6];
	_ =	sdelay $0x3  }
0x36: {  	p1 =	seq.s32 s10, $0x1;
	s10 =	sld [smem:$0x3FA7];
	_ =	sdelay $0x3  }
0x37: {  	[smem:$0x3FA7] =	sst s10  }
0x38: {  	s10 =	sld [smem:$0x3FA8]  }
0x39: {  	_ = 	snop;
	(pc) =	sbr.ind lr, $3  }
0x3a: {  	_ = 	snop  }
0x3b: {  	_ = 	snop  }
0x3c: {  	p2 =	seq.s32 s10, $0x1;
	s10 =	sld [smem:$0x3FA7]  }
0x3d: {  	_ =	shalt  }
0x3e: {  	_ =	shalt  }
0x3f: {  	_ =	shalt  }
0x40: {  	_ =	shalt  }
0x41: {  	_ =	shalt  }
0x42: {  	_ =	shalt  }
0x43: {  	_ =	shalt  }
0x44: {  	_ =	shalt  }
0x45: {  	_ =	shalt  }
0x46: {  	_ =	shalt  }
0x47: {  	_ =	shalt  }
0x48: {  	_ =	shalt  }
0x49: {  	_ =	shalt  }
0x4a: {  	_ =	shalt  }
0x4b: {  	_ =	shalt  }
0x4c: {  	_ =	shalt  }
0x4d: {  	_ =	shalt  }
0x4e: {  	_ =	shalt  }
0x4f: {  	_ =	shalt  }
0x50: {  	_ =	shalt  }
0x51: {  	_ =	shalt  }
0x52: {  	_ =	shalt  }
0x53: {  	_ =	shalt  }
0x54: {  	_ =	shalt  }
0x55: {  	_ =	shalt  }
0x56: {  	_ =	shalt  }
0x57: {  	_ =	shalt  }
0x58: {  	_ =	shalt  }
0x59: {  	_ =	shalt  }
0x5a: {  	_ =	shalt  }
0x5b: {  	_ =	shalt  }
0x5c: {  	_ =	shalt  }
0x5d: {  	_ =	shalt  }
0x5e: {  	_ =	shalt  }
0x5f: {  	_ =	shalt  }
0x60: {  	_ =	shalt  }
0x61: {  	_ =	shalt  }
0x62: {  	_ =	shalt  }
0x63: {  	_ =	shalt  }
0x64: {  	_ =	shalt  }
0x65: {  	_ =	shalt  }
0x66: {  	_ =	shalt  }
0x67: {  	_ =	shalt  }
0x68: {  	_ =	shalt  }
0x69: {  	_ =	shalt  }
0x6a: {  	_ =	shalt  }
0x6b: {  	_ =	shalt  }
0x6c: {  	_ =	shalt  }
0x6d: {  	_ =	shalt  }
0x6e: {  	_ =	shalt  }
0x6f: {  	_ =	shalt  }
0x70: {  	_ =	shalt  }
0x71: {  	_ =	shalt  }
0x72: {  	_ =	shalt  }
0x73: {  	_ =	shalt  }
0x74: {  	_ =	shalt  }
0x75: {  	_ =	shalt  }
0x76: {  	_ =	shalt  }
0x77: {  	_ =	shalt  }
0x78: {  	_ =	shalt  }
0x79: {  	_ =	shalt  }
0x7a: {  	_ =	shalt  }
0x7b: {  	_ =	shalt  }
0x7c: {  	_ =	shalt  }
0x7d: {  	_ =	shalt  }
0x7e: {  	_ =	shalt  }
0x7f: {  	_ =	shalt  }
0x80: {  	_ =	shalt  }
0x81: {  	_ =	shalt  }
0x82: {  	_ =	shalt  }
0x83: {  	_ =	shalt  }
0x84: {  	_ =	shalt  }
0x85: {  	_ =	shalt  }
0x86: {  	_ =	shalt  }
0x87: {  	_ =	shalt  }
.Lfunc_end0:
.L_simem_size_0:
called_computation_lowered:
.L_overlay_start_0:
0x88: {  	s2 =	sld [smem:$0x3FD9]  }
0x89: {  	s3 =	sld [smem:$0x3FFE];
	_ =	sdelay $0x1  }
0x8a: {  	s1 =	srdreg.scid  }
0x8b: {  	s0 =	sand.u32 $0x1, s1  }
0x8c: {  	s14 =	sshll.u32 s0, $0xA;
	s2 =	sadd.s32 s3, s2  }
0x8d: {  	s2 =	sadd.s32 s2, s14  }
0x8e: {  	[smem:$0x3FB3] =	sst s2  }
0x8f: {  	_ = 	snop  }
0x90: {  	s2 =	sld [smem:$0x3FD0];
	_ =	sdelay $0x2  }
0x91: {  	s4 =	simm.s32 $0xA;
	s5 =	simm.s32 $0x10;
	s15 =	sld [smem:$0x3FB5]  }
0x92: {  	[smem:s5], [sflag:s4] =	dma.local [hbm:s2], $0x1  }
0x93: {  	_ =	swait.eq [sflag:s4], $0x1  }
0x94: {  	[sflag:s4] =	ssyncset.done $0x0  }
0x95: {  	[sflag:s4] =	ssyncadd.s32 $0xFFFFFFFF  }
0x96: {  	s16 =	sld [smem:$0x10];
	(tm) =	ssettm $0x1  }
0x97: {  	s17 =	sld [smem:$0x3FFB];
	_ =	sdelay $0x3  }
0x98: {  	_ =	strace s17  }
0x99: {  	s4 =	sld [smem:$0x3FFC];
	_ =	sdelay $0x3  }
0x9a: {  	_ =	strace s4  }
0x9b: {  	s4 =	sld [smem:$0x3FFD];
	_ =	sdelay $0x3  }
0x9c: {  	_ =	strace s4  }
0x9d: {  	_ =	strace $0x8FFFFFFF  }
0x9e: {  	s18 =	sld [smem:$0x3FDB];
	_ =	sdelay $0x1  }
0x9f: {  	s19 =	simm.s32 $_scs_section_size  }
0xa0: {  	s6 =	simm.s32 $_size__tile_overlayer_lowered;
	s7 =	simm.s32 $_tile_overlayer_lowered  }
0xa1: {  	s22 =	simm.s32 $0x1BFF;
	s21 =	sshll.u32 s7, $0x1;
	s4 =	sadd.s32 s19, s18  }
0xa2: {  	s8 =	simm.s32 $0x0;
	s20 =	sshll.u32 s6, $0x1;
	s6 =	sadd.s32 s21, s4  }
0xa3: {  	[timem:s8], [sflag:s22] =	dma.local [hbm:s6], s20  }
0xa4: {  	_ =	swait.ge [sflag:s22], s20  }
0xa5: {  	s5 =	ssub.s32 $0x0, s20;
	[sflag:s22] =	ssyncset.done $0x0  }
0xa6: {  	[sflag:s22] =	ssyncadd.s32 s5;
	_ =	sdelay $0x1  }
0xa7: {  	s23 =	simm.s32 $0x1B8B  }
0xa8: {  	_ =	swait.ge [sflag:s23], $0x1  }
0xa9: {  	[sflag:s23] =	ssyncset.done $0x0  }
0xaa: {  	s25 =	simm.s32 $0x1B8E;
	s24 =	sld [smem:$0x3FFE];
	[sflag:s23] =	ssyncadd.s32 $0xFFFFFFFF  }
0xab: {  	s26 =	simm.s32 $execute0_lowered;
	[smem:$0x3FD2] =	sst s25  }
0xac: {  	s6 =	sshll.u32 s26, $0x1;
	_ =	strace $0x80000046;
	[dreg:$0x1] =	wrdreg $0xFFFFFFFF  }
0xad: {  	s28 =	simm.s32 $_size_execute0_lowered;
	s4 =	sadd.s32 s4, s6;
	[dreg:$0x0] =	wrdreg $0x0  }
0xae: {  	s6 =	sshll.u32 s28, $0x1;
	[dreg:$0x2] =	wrdreg s4  }
0xaf: {  	[dreg:$0x3] =	wrdreg s6  }
0xb0: {  	[dreg:$0x4] =	wrdreg $0xC0  }
0xb1: {  	_ =	task [dreg:s8], $0x5FFFF  }
0xb2: {  	[dreg:$0x1] =	wrdreg $0xFFFFFFFF  }
0xb3: {  	[dreg:$0x0] =	wrdreg $0x60  }
0xb4: {  	[dreg:$0x2] =	wrdreg s15  }
0xb5: {  	[dreg:$0x3] =	wrdreg s24  }
0xb6: {  	[dreg:$0x4] =	wrdreg s16  }
0xb7: {  	[dreg:$0x5] =	wrdreg $0x9  }
0xb8: {  	_ =	task.clear_ibuf [dreg:s8], $0x6FFFF;
	_ =	strace $0x90000046  }
0xb9: {  	s29 =	simm.s32 $0x9;
	_ =	strace $0x80000048  }
0xba: {  	_ =	swait.ge [sflag:s29], $0x1  }
0xbb: {  	[sflag:s29] =	ssyncadd.s32 $0xFFFFFFFF  }
0xbc: {  	_ =	strace $0x90000048  }
0xbd: {  	_ =	sfence  }
0xbe: {  	s30 =	sld [smem:$0x0];
	_ =	sdelay $0x2  }
0xbf: {  	s31 =	sshll.u32 s1, $0xD;
	s1 =	sshrl.u32 s1, $0x2  }
0xc0: {  	s3 =	sand.u32 $0x4000, s31;
	s1 =	sadd.s32 s1, s30  }
0xc1: {  	s0 =	sor.u32 s3, s0;
	s1 =	sshll.u32 s1, $0x11  }
0xc2: {  	s0 =	sor.u32 s1, s0  }
0xc3: {  	s0 =	sadd.s32 $0x8F2B, s0  }
0xc4: {  	[sflag:s0] =	ssyncadd.remote.s32 $0x1  }
0xc5: {  	_ =	sfence.sel $0xFFFF  }
0xc6: {  	[dreg:$0x0] =	wrdreg $0xFFFFFFFF;
	(pc) =	sbr.abs _section_cstart, $3  }
0xc7: {  	[dreg:$0x1] =	wrdreg $0xFFFFFFFF  }
0xc8: {  	_ =	task.clear_ibuf [dreg:s8], $0x2FFFF;
	_ =	strace $0x9FFFFFFF  }
0xc9: {  	(tm) =	ssettm $0x7FFFFFFF  }
tec
execute0_lowered:
.L_overlay_start_1:
0x0: {  	(tag) =	ssettag $0x1  }
0x1: {  	s1 =	rddreg [dreg:$0x0]  }
0x2: {  	s4 =	rddreg [dreg:$0x1]  }
0x3: {  	s5 =	rddreg [dreg:$0x2];
	s3 =	srdreg.scid  }
0x4: {  	s0 =	rddreg [dreg:$0x3];
	s2 =	stileid.u32;
	s10 =	simm.s32 $0x1080  }
0x5: {  	s11 =	simm.s32 $0x1880;
	s12 =	simm.s32 $0x2080;
	s13 =	simm.s32 $0x2880  }
0x6: {  	s14 =	simm.s32 $0x3080;
	s15 =	simm.s32 $0x3880;
	s16 =	simm.s32 $0x4080  }
0x7: {  	s17 =	simm.s32 $0x4880;
	s18 =	simm.s32 $0x5080;
	s19 =	simm.s32 $0x5880  }
0x8: {  	s20 =	simm.s32 $0x6080;
	s21 =	simm.s32 $0x6880;
	s22 =	simm.s32 $0x7080  }
0x9: {  	s23 =	simm.s32 $0x7880;
	s24 =	simm.s32 $0x1;
	s6 =	sand.u32 $0x1, s3  }
0xa: {  	s3 =	simm.s32 $0x0;
	s7 =	sshll.u32 s2, $0x8;
	s8 =	sshll.u32 s6, $0x7  }
0xb: {  	[smem:$0x7FF] =	sst s3;
	s6 =	ssub.s32 $0x2, s6;
	s7 =	sor.u32 s8, s7  }
0xc: {  	_ =	strace $0x80000047;
	s9 =	sshrl.u32 s6, $0x1;
	s8 =	sshrl.u32 s7, $0x3  }
0xd: {  	v2 =	vlaneseq.u32;
	s6 =	ssub.s32 s6, s9;
	s7 =	sshll.u32 s7, $0x5;
	s9 =	simm.s32 $0x880  }
0xe: {  	vm0 =	vmmov $0xffff;
	v1 =	vshrl.u32 v2, $0x3;
	s4 =	sadd.s32 s8, s4;
	s5 =	sadd.s32 s5, s7;
	s6 =	smax.u32 s6, $0x1  }
0xf: {  	v0 =	vand.u32 $0x7, v2;
	v2 =	vor.u32 $0x8, v2;
	v1 =	vmul.u32 $0x8, v1;
	s7 =	simm.s32 $0x2;
	s8 =	simm.s32 $0x80;
	s4 =	sadd.s32 $0x3200, s4  }
.LBB2_1:
0x10: {  	[tilespmem:s3], [sflag:$0x2] =	stream.linear.gather [hbm4b:s4+s3], $0x80, $0x38;
	[tilespmem:$0x8080] =	vst v63  }
0x11: {  	_ =	swait.ge [sflag:s7], $0x80  }
0x12: {  	[sflag:s7] =	ssyncset.done $0x0  }
0x13: {  	[sflag:s7] =	ssyncadd.s32 $0xFFFFFF80  }
0x14: {  	v3 =	vld [tilespmem:$0x0];
	_ =	sdelay $0x4  }
0x15: {  	v4 =	vshll.u32 v3, $0x1  }
0x16: {  	v3 =	vand.u32 $0x7, v3;
	v4 =	vand.u32 $0xFFFFFFF0, v4  }
0x17: {  	v3 =	vor.u32 v3, v4  }
0x18: {  	v4 =	vperm.xlane v3, v0;
	_ =	sdelay $0x1  }
0x19: {  	v3 =	vperm.xlane v3, v2;
	v4 =	vadd.s32 v1, v4;
	_ =	sdelay $0x1  }
0x1a: {  	v3 =	vadd.s32 v1, v3;
	_ =	sdelay $0x2  }
0x1b: {  	[tilespmem:s8], [sflag:$0x1] =	stream.indirect_vreg.gather [hbm4b:s1+s3], $0x80, v4, vm0, $0xb8;
	[tilespmem:$0x8080] =	vst v63  }
0x1c: {  	_ = 	snop  }
0x1d: {  	[tilespmem:s9], [sflag:$0x1] =	stream.indirect_vreg.gather [hbm4b:s1+s3], $0x80, v3, vm0, $0xb8;
	[tilespmem:$0x8080] =	vst v63  }
0x1e: {  	v3 =	vld [tilespmem:$0x10];
	_ =	sdelay $0x4  }
0x1f: {  	v57 =	vshll.u32 v3, $0x1  }
0x20: {  	v3 =	vand.u32 $0x7, v3;
	v4 =	vand.u32 $0xFFFFFFF0, v57  }
0x21: {  	v3 =	vor.u32 v3, v4  }
0x22: {  	v4 =	vperm.xlane v3, v0;
	_ =	sdelay $0x1  }
0x23: {  	v3 =	vperm.xlane v3, v2;
	v4 =	vadd.s32 v1, v4;
	_ =	sdelay $0x1  }
0x24: {  	v3 =	vadd.s32 v1, v3;
	_ =	sdelay $0x2  }
0x25: {  	[tilespmem:s10], [sflag:$0x1] =	stream.indirect_vreg.gather [hbm4b:s1+s3], $0x80, v4, vm0, $0xb8;
	[tilespmem:$0x8080] =	vst v63  }
0x26: {  	_ = 	snop  }
0x27: {  	[tilespmem:s11], [sflag:$0x1] =	stream.indirect_vreg.gather [hbm4b:s1+s3], $0x80, v3, vm0, $0xb8;
	[tilespmem:$0x8080] =	vst v63  }
0x28: {  	v3 =	vld [tilespmem:$0x20];
	_ =	sdelay $0x4  }
0x29: {  	v58 =	vshll.u32 v3, $0x1  }
0x2a: {  	v3 =	vand.u32 $0x7, v3;
	v4 =	vand.u32 $0xFFFFFFF0, v58  }
0x2b: {  	v3 =	vor.u32 v3, v4  }
0x2c: {  	v4 =	vperm.xlane v3, v0;
	_ =	sdelay $0x1  }
0x2d: {  	v3 =	vperm.xlane v3, v2;
	v4 =	vadd.s32 v1, v4;
	_ =	sdelay $0x1  }
0x2e: {  	v3 =	vadd.s32 v1, v3;
	_ =	sdelay $0x2  }
0x2f: {  	[tilespmem:s12], [sflag:$0x1] =	stream.indirect_vreg.gather [hbm4b:s1+s3], $0x80, v4, vm0, $0xb8;
	[tilespmem:$0x8080] =	vst v63  }
0x30: {  	_ = 	snop  }
0x31: {  	[tilespmem:s13], [sflag:$0x1] =	stream.indirect_vreg.gather [hbm4b:s1+s3], $0x80, v3, vm0, $0xb8;
	[tilespmem:$0x8080] =	vst v63  }
0x32: {  	v3 =	vld [tilespmem:$0x30];
	_ =	sdelay $0x4  }
0x33: {  	v59 =	vshll.u32 v3, $0x1  }
0x34: {  	v3 =	vand.u32 $0x7, v3;
	v4 =	vand.u32 $0xFFFFFFF0, v59  }
0x35: {  	v3 =	vor.u32 v3, v4  }
0x36: {  	v4 =	vperm.xlane v3, v0;
	_ =	sdelay $0x1  }
0x37: {  	v3 =	vperm.xlane v3, v2;
	v4 =	vadd.s32 v1, v4;
	_ =	sdelay $0x1  }
0x38: {  	v3 =	vadd.s32 v1, v3;
	_ =	sdelay $0x2  }
0x39: {  	[tilespmem:s14], [sflag:$0x1] =	stream.indirect_vreg.gather [hbm4b:s1+s3], $0x80, v4, vm0, $0xb8;
	[tilespmem:$0x8080] =	vst v63  }
0x3a: {  	_ = 	snop  }
0x3b: {  	[tilespmem:s15], [sflag:$0x1] =	stream.indirect_vreg.gather [hbm4b:s1+s3], $0x80, v3, vm0, $0xb8;
	[tilespmem:$0x8080] =	vst v63  }
0x3c: {  	v3 =	vld [tilespmem:$0x40];
	_ =	sdelay $0x4  }
0x3d: {  	v60 =	vshll.u32 v3, $0x1  }
0x3e: {  	v3 =	vand.u32 $0x7, v3;
	v4 =	vand.u32 $0xFFFFFFF0, v60  }
0x3f: {  	v3 =	vor.u32 v3, v4  }
0x40: {  	v4 =	vperm.xlane v3, v0;
	_ =	sdelay $0x1  }
0x41: {  	v3 =	vperm.xlane v3, v2;
	v4 =	vadd.s32 v1, v4;
	_ =	sdelay $0x1  }
0x42: {  	v3 =	vadd.s32 v1, v3;
	_ =	sdelay $0x2  }
0x43: {  	[tilespmem:s16], [sflag:$0x1] =	stream.indirect_vreg.gather [hbm4b:s1+s3], $0x80, v4, vm0, $0xb8;
	[tilespmem:$0x8080] =	vst v63  }
0x44: {  	_ = 	snop  }
0x45: {  	[tilespmem:s17], [sflag:$0x1] =	stream.indirect_vreg.gather [hbm4b:s1+s3], $0x80, v3, vm0, $0xb8;
	[tilespmem:$0x8080] =	vst v63  }
0x46: {  	v3 =	vld [tilespmem:$0x50];
	_ =	sdelay $0x4  }
0x47: {  	v61 =	vshll.u32 v3, $0x1  }
0x48: {  	v3 =	vand.u32 $0x7, v3;
	v4 =	vand.u32 $0xFFFFFFF0, v61  }
0x49: {  	v3 =	vor.u32 v3, v4  }
0x4a: {  	v4 =	vperm.xlane v3, v0;
	_ =	sdelay $0x1  }
0x4b: {  	v3 =	vperm.xlane v3, v2;
	v4 =	vadd.s32 v1, v4;
	_ =	sdelay $0x1  }
0x4c: {  	v3 =	vadd.s32 v1, v3;
	_ =	sdelay $0x2  }
0x4d: {  	[tilespmem:s18], [sflag:$0x1] =	stream.indirect_vreg.gather [hbm4b:s1+s3], $0x80, v4, vm0, $0xb8;
	[tilespmem:$0x8080] =	vst v63  }
0x4e: {  	_ = 	snop  }
0x4f: {  	[tilespmem:s19], [sflag:$0x1] =	stream.indirect_vreg.gather [hbm4b:s1+s3], $0x80, v3, vm0, $0xb8;
	[tilespmem:$0x8080] =	vst v63  }
0x50: {  	v3 =	vld [tilespmem:$0x60];
	_ =	sdelay $0x4  }
0x51: {  	v62 =	vshll.u32 v3, $0x1  }
0x52: {  	v3 =	vand.u32 $0x7, v3;
	v4 =	vand.u32 $0xFFFFFFF0, v62  }
0x53: {  	v3 =	vor.u32 v3, v4  }
0x54: {  	v4 =	vperm.xlane v3, v0;
	_ =	sdelay $0x1  }
0x55: {  	v3 =	vperm.xlane v3, v2;
	v4 =	vadd.s32 v1, v4;
	_ =	sdelay $0x1  }
0x56: {  	v3 =	vadd.s32 v1, v3;
	_ =	sdelay $0x2  }
0x57: {  	[tilespmem:s20], [sflag:$0x1] =	stream.indirect_vreg.gather [hbm4b:s1+s3], $0x80, v4, vm0, $0xb8;
	[tilespmem:$0x8080] =	vst v63  }
0x58: {  	_ = 	snop  }
0x59: {  	[tilespmem:s21], [sflag:$0x1] =	stream.indirect_vreg.gather [hbm4b:s1+s3], $0x80, v3, vm0, $0xb8;
	[tilespmem:$0x8080] =	vst v63  }
0x5a: {  	v3 =	vld [tilespmem:$0x70];
	_ =	sdelay $0x4  }
0x5b: {  	v63 =	vshll.u32 v3, $0x1  }
0x5c: {  	v3 =	vand.u32 $0x7, v3;
	v4 =	vand.u32 $0xFFFFFFF0, v63  }
0x5d: {  	v3 =	vor.u32 v3, v4  }
0x5e: {  	v4 =	vperm.xlane v3, v0;
	_ =	sdelay $0x1  }
0x5f: {  	v3 =	vperm.xlane v3, v2;
	v4 =	vadd.s32 v1, v4;
	_ =	sdelay $0x1  }
0x60: {  	v3 =	vadd.s32 v1, v3;
	_ =	sdelay $0x2  }
0x61: {  	[tilespmem:s22], [sflag:$0x1] =	stream.indirect_vreg.gather [hbm4b:s1+s3], $0x80, v4, vm0, $0xb8;
	[tilespmem:$0x8080] =	vst v63  }
0x62: {  	_ = 	snop  }
0x63: {  	[tilespmem:s23], [sflag:$0x1] =	stream.indirect_vreg.gather [hbm4b:s1+s3], $0x80, v3, vm0, $0xb8;
	[tilespmem:$0x8080] =	vst v63  }
0x64: {  	_ =	swait.ge [sflag:s24], $0x8000  }
0x65: {  	p0 =	sne.s32 s6, $0x1;
	[sflag:s24] =	ssyncset.done $0x0  }
.Ltmp0:
0x66: {  	[sflag:s24] =	ssyncadd.s32 $0xFFFF8000;
	(pc) =	sbr.rel @p0 .LBB2_1-.Ltmp0, $4  }
0x67: {  	[hbm4b:s5+s3] =	stream.linear.scatter [tilespmem:s8], [sflag:$0x2], $0x8000, $0x38;
	[tilespmem:$0x8080] =	vst v63  }
0x68: {  	_ =	swait.ge [sflag:s7], $0x8000  }
0x69: {  	[sflag:s7] =	ssyncset.done $0x0  }
0x6a: {  	s6 =	sadd.s32 $0xFFFFFFFF, s6;
	[sflag:s7] =	ssyncadd.s32 $0xFFFF8000  }
0x6b: {  	_ =	sfence.sel $0x180000  }
0x6c: {  	[bflag:$0x0] =	sbarrier.arrive $0xFFFF  }
0x6d: {  	p0 =	sne.s32 s2, $0x0;
	_ =	strace $0x90000047  }
0x6e: {  	s0 =	sadd.s32 @!p0 $0x100000, s0;
	[bflag:$0x2] =	sbarrier.arrive $0xFFFF  }
0x6f: {  	[sflag:s0] =	ssyncadd.tile.s32 @!p0 $0x1;
	_ =	shalt  }
.Lfunc_end2:
_tile_overlayer_lowered:
.L_overlay_start_2:
0x70: {  	(tag) =	ssettag $0x2  }
0x71: {  	s0 =	rddreg [dreg:$0x0];
	s2 =	stileid.u32  }
0x72: {  	s1 =	rddreg [dreg:$0x1];
	p0 =	sne.s32 s2, $0x0  }
0x73: {  	s3 =	rddreg [dreg:$0x2];
	[bflag:$0x3] =	sbarrier.arrive $0xFFFF;
	s2 =	simm.s32 @!p0 $0x1C02  }
0x74: {  	[timem:s3], [sflag:s2] =	dma.local @!p0 [hbm:s0], s1  }
0x75: {  	s0 =	simm.s32 @!p0 $0x2  }
0x76: {  	_ =	swait.ge @!p0 [sflag:s0], s1  }
0x77: {  	s1 =	ssub.s32 @!p0 $0x0, s1;
	[sflag:s0] =	ssyncset.done @!p0 $0x0  }
0x78: {  	[sflag:s0] =	ssyncadd.s32 @!p0 s1  }
0x79: {  	[bflag:$0x3] =	sbarrier.arrive $0xFFFF  }
0x7a: {  	_ =	shalt  }

</sc_bundles>
